<compile_context>
chip_gen: v7x
topology: tpu7x:2x2x1
jax: 0.10.2.dev20260603
libtpu: 0.0.44.dev20260713+nightly
codegen_flags: <defaults>
</compile_context>

<pallas_src>
import functools

import jax
import jax.numpy as jnp
from jax import lax
from jax.experimental import pallas as pl
from jax.experimental.pallas import tpu as pltpu
from jax.experimental.pallas import tpu_sc as plsc

_M, _N, _DIM = 64, 64, 16
_K = _M * _N
_B = 1024
_NC, _NS, _L = 2, 16, 16
_NW = _NC * _NS
_KW = _K // _NW
_QC = _B // _L


def _sc_bmu_kernel(xt_hbm, w_hbm, min_hbm, idx_hbm, xt_v, w_v, min_v, idx_v):
    wid = lax.axis_index("s") * _NC + lax.axis_index("c")
    pltpu.sync_copy(xt_hbm, xt_v)
    pltpu.sync_copy(w_hbm.at[pl.ds(wid * _KW, _KW)], w_v)

    def q_body(qc, _):
        q0 = qc * _L
        xq = [xt_v[d, pl.ds(q0, _L)] for d in range(_DIM)]

        def k_body(k, carry):
            mn, ix = carry
            wrow = w_v[k, :]
            t = xq[0] - wrow[0]
            acc = t * t
            for d in range(1, _DIM):
                t = xq[d] - wrow[d]
                acc = acc + t * t
            better = acc < mn
            mn = jnp.where(better, acc, mn)
            ix = jnp.where(better, wid * _KW + k, ix)
            return mn, ix

        big = jnp.full((_L,), jnp.inf, jnp.float32)
        ze = jnp.zeros((_L,), jnp.int32)
        mn, ix = lax.fori_loop(0, _KW, k_body, (big, ze))
        min_v[pl.ds(q0, _L)] = mn
        idx_v[pl.ds(q0, _L)] = ix
        return _

    lax.fori_loop(0, _QC, q_body, 0)
    pltpu.sync_copy(min_v, min_hbm.at[wid])
    pltpu.sync_copy(idx_v, idx_hbm.at[wid])


def _merge_kernel(min_ref, idx_ref, out_ref):
    gm = jnp.min(min_ref[...], axis=0, keepdims=True)
    out_ref[...] = jnp.min(
        jnp.where(min_ref[...] == gm, idx_ref[...], _K), axis=0, keepdims=True
    )


def kernel(input_vector, weights):
    xt = input_vector.T
    sc_call = pl.kernel(
        _sc_bmu_kernel,
        out_type=[
            jax.ShapeDtypeStruct((_NW, _B), jnp.float32),
            jax.ShapeDtypeStruct((_NW, _B), jnp.int32),
        ],
        mesh=plsc.VectorSubcoreMesh(
            core_axis_name="c", subcore_axis_name="s",
            num_cores=_NC, num_subcores=_NS,
        ),
        scratch_types=[
            pltpu.VMEM((_DIM, _B), jnp.float32),
            pltpu.VMEM((_KW, _DIM), jnp.float32),
            pltpu.VMEM((_B,), jnp.float32),
            pltpu.VMEM((_B,), jnp.int32),
        ],
    )
    mins, idxs = sc_call(xt, weights)
    idx = pl.pallas_call(
        _merge_kernel,
        out_shape=jax.ShapeDtypeStruct((1, _B), jnp.int32),
    )(mins, idxs)[0]
    return jnp.stack([idx // _N, idx % _N], axis=-1)

# --- scband reference (transcript-rebuilt; emitter-appended) ---
"""Pipeline reference for scband-som-68547678044305 (READ-ONLY COPY).

The authoritative reference and input builder live on the scoring server;
editing this copy changes nothing except your own understanding.
"""

import jax, jax.numpy as jnp
import numpy as np

M, N, DIM = 64, 64, 16
B = 1024


def _locations(m, n):
    # matches SOM.neuron_locations: row-major (i, j) grid -> [m*n, 2]
    return jnp.asarray(np.array([[i, j] for i in range(m) for j in range(n)], dtype=np.int64))


def setup_inputs(seed: int = 0) -> dict:
    key = jax.random.key(seed)
    k1, k2 = jax.random.split(key)
    input_vector = jax.random.normal(k1, (B, DIM), dtype=jnp.float32)
    weights = jax.random.normal(k2, (M * N, DIM), dtype=jnp.float32)
    return {"input_vector": input_vector, "weights": weights}


def reference(input_vector, weights):
    # inference path (training=False): return BMU grid locations
    location_vects = _locations(M, N)
    # tf.tile(expand_dims(input,1),[1,m*n,1]) vs expand_dims(weights,0)
    iv = jnp.broadcast_to(input_vector[:, None, :], (input_vector.shape[0], M * N, DIM))
    w = weights[None, :, :]
    diff = w - iv
    distance = jnp.sqrt(jnp.sum(jnp.power(diff, 2), axis=2))
    bmu_index = jnp.argmin(distance, axis=1)
    bmu_loc = jnp.reshape(jnp.take(location_vects, bmu_index, axis=0), (-1, 2))
    return bmu_loc

if __name__ == "__main__":
    import jax
    _d = setup_inputs()
    print(jax.jit(kernel)(*tuple(_d.values())))

</pallas_src>

<mosaic_0001>
#map = affine_map<(d0, d1) -> (0, 0)>
module attributes {stable_mosaic.version = 14 : i64} {
  func.func @_sc_bmu_kernel(%arg0: i32, %arg1: i32, %arg2: memref<16x1024xf32, #tpu.memory_space<hbm>>, %arg3: memref<4096x16xf32, #tpu.memory_space<hbm>>, %arg4: memref<32x1024xf32, #tpu.memory_space<hbm>>, %arg5: memref<32x1024xi32, #tpu.memory_space<hbm>>, %arg6: memref<16x1024xf32, #tpu.memory_space<vmem>>, %arg7: memref<128x16xf32, #tpu.memory_space<vmem>>, %arg8: memref<1024xf32, #tpu.memory_space<vmem>>, %arg9: memref<1024xi32, #tpu.memory_space<vmem>>) attributes {dimension_semantics = [#tpu.dimension_semantics<core_parallel>, #tpu.dimension_semantics<subcore_parallel>], iteration_bounds = array<i64: 2, 16>, scalar_prefetch = 0 : i64, scratch_operands = 4 : i64, tpu.core_type = #tpu.core_type<sc_vector_subcore>, window_params = [{transform_indices = #map}, {transform_indices = #map}, {transform_indices = #map}, {transform_indices = #map}]} {
    %mul3A = arith.constant 2 : i32
    %mul3A_0 = arith.muli %arg1, %mul3A : i32
    %add3A = arith.addi %mul3A_0, %arg0 : i32
    "tpu.region"() ({
      %run_scoped3A = tpu.sem_alloc : memref<!tpu.dma_semaphore, #tpu.memory_space<semaphore_mem>>
      tpu.enqueue_dma source(%arg2 : memref<16x1024xf32, #tpu.memory_space<hbm>>) target(%arg6 : memref<16x1024xf32, #tpu.memory_space<vmem>>) target_semaphore(%run_scoped3A : memref<!tpu.dma_semaphore, #tpu.memory_space<semaphore_mem>>)
      tpu.wait_dma2 semaphore(%run_scoped3A : memref<!tpu.dma_semaphore, #tpu.memory_space<semaphore_mem>>) src(%arg2 : memref<16x1024xf32, #tpu.memory_space<hbm>>) dst(%arg6 : memref<16x1024xf32, #tpu.memory_space<vmem>>)
      tpu.yield
    }) : () -> ()
    %mul3A_1 = arith.constant 128 : i32
    %mul3A_2 = arith.muli %add3A, %mul3A_1 : i32
    "tpu.region"() ({
      %run_scoped3A = tpu.sem_alloc : memref<!tpu.dma_semaphore, #tpu.memory_space<semaphore_mem>>
      %dma_start3A = arith.constant 0 : i32
      %dma_start3A_8 = tpu.memref_slice %arg3[%mul3A_2, %dma_start3A] : memref<4096x16xf32, #tpu.memory_space<hbm>> -> memref<128x16xf32, #tpu.memory_space<hbm>>
      %dma_start3A_9 = arith.constant 0 : i32
      %dma_start3A_10 = tpu.memref_slice %arg3[%mul3A_2, %dma_start3A_9] : memref<4096x16xf32, #tpu.memory_space<hbm>> -> memref<128x16xf32, #tpu.memory_space<hbm>>
      tpu.enqueue_dma source(%dma_start3A_10 : memref<128x16xf32, #tpu.memory_space<hbm>>) target(%arg7 : memref<128x16xf32, #tpu.memory_space<vmem>>) target_semaphore(%run_scoped3A : memref<!tpu.dma_semaphore, #tpu.memory_space<semaphore_mem>>)
      %dma_wait3A = arith.constant 0 : i32
      %dma_wait3A_11 = tpu.memref_slice %arg3[%mul3A_2, %dma_wait3A] : memref<4096x16xf32, #tpu.memory_space<hbm>> -> memref<128x16xf32, #tpu.memory_space<hbm>>
      %dma_wait3A_12 = arith.constant 0 : i32
      %dma_wait3A_13 = tpu.memref_slice %arg3[%mul3A_2, %dma_wait3A_12] : memref<4096x16xf32, #tpu.memory_space<hbm>> -> memref<128x16xf32, #tpu.memory_space<hbm>>
      tpu.wait_dma2 semaphore(%run_scoped3A : memref<!tpu.dma_semaphore, #tpu.memory_space<semaphore_mem>>) src(%dma_wait3A_13 : memref<128x16xf32, #tpu.memory_space<hbm>>) dst(%arg7 : memref<128x16xf32, #tpu.memory_space<vmem>>)
      tpu.yield
    }) : () -> ()
    %scan3A = arith.constant 0 : i32
    %scan3A_3 = arith.constant 0 : i32
    %scan3A_4 = arith.constant 64 : i32
    %scan3A_5 = arith.addi %scan3A_3, %scan3A_4 : i32
    %scan3A_6 = arith.constant 1 : i32
    scf.for %scan3A_8 = %scan3A_3 to %scan3A_5 step %scan3A_6  : i32 {
      %mul3A_9 = arith.constant 16 : i32
      %mul3A_10 = arith.muli %scan3A_8, %mul3A_9 : i32
      %get3A = arith.constant 0 : i32
      %get3A_11 = arith.index_cast %get3A : i32 to index
      %get3A_12 = arith.index_cast %mul3A_10 : i32 to index
      %get3A_13 = tpu.vector_load %arg6[%get3A_11, %get3A_12] {strides = array<i32>} : memref<16x1024xf32, #tpu.memory_space<vmem>>, vector<1x16xf32>,
      %get3A_14 = vector.shape_cast %get3A_13 : vector<1x16xf32> to vector<16xf32>
      %get3A_15 = arith.constant 1 : i32
      %get3A_16 = arith.index_cast %get3A_15 : i32 to index
      %get3A_17 = arith.index_cast %mul3A_10 : i32 to index
      %get3A_18 = tpu.vector_load %arg6[%get3A_16, %get3A_17] {strides = array<i32>} : memref<16x1024xf32, #tpu.memory_space<vmem>>, vector<1x16xf32>,
      %get3A_19 = vector.shape_cast %get3A_18 : vector<1x16xf32> to vector<16xf32>
      %get3A_20 = arith.constant 2 : i32
      %get3A_21 = arith.index_cast %get3A_20 : i32 to index
      %get3A_22 = arith.index_cast %mul3A_10 : i32 to index
      %get3A_23 = tpu.vector_load %arg6[%get3A_21, %get3A_22] {strides = array<i32>} : memref<16x1024xf32, #tpu.memory_space<vmem>>, vector<1x16xf32>,
      %get3A_24 = vector.shape_cast %get3A_23 : vector<1x16xf32> to vector<16xf32>
      %get3A_25 = arith.constant 3 : i32
      %get3A_26 = arith.index_cast %get3A_25 : i32 to index
      %get3A_27 = arith.index_cast %mul3A_10 : i32 to index
      %get3A_28 = tpu.vector_load %arg6[%get3A_26, %get3A_27] {strides = array<i32>} : memref<16x1024xf32, #tpu.memory_space<vmem>>, vector<1x16xf32>,
      %get3A_29 = vector.shape_cast %get3A_28 : vector<1x16xf32> to vector<16xf32>
      %get3A_30 = arith.constant 4 : i32
      %get3A_31 = arith.index_cast %get3A_30 : i32 to index
      %get3A_32 = arith.index_cast %mul3A_10 : i32 to index
      %get3A_33 = tpu.vector_load %arg6[%get3A_31, %get3A_32] {strides = array<i32>} : memref<16x1024xf32, #tpu.memory_space<vmem>>, vector<1x16xf32>,
      %get3A_34 = vector.shape_cast %get3A_33 : vector<1x16xf32> to vector<16xf32>
      %get3A_35 = arith.constant 5 : i32
      %get3A_36 = arith.index_cast %get3A_35 : i32 to index
      %get3A_37 = arith.index_cast %mul3A_10 : i32 to index
      %get3A_38 = tpu.vector_load %arg6[%get3A_36, %get3A_37] {strides = array<i32>} : memref<16x1024xf32, #tpu.memory_space<vmem>>, vector<1x16xf32>,
      %get3A_39 = vector.shape_cast %get3A_38 : vector<1x16xf32> to vector<16xf32>
      %get3A_40 = arith.constant 6 : i32
      %get3A_41 = arith.index_cast %get3A_40 : i32 to index
      %get3A_42 = arith.index_cast %mul3A_10 : i32 to index
      %get3A_43 = tpu.vector_load %arg6[%get3A_41, %get3A_42] {strides = array<i32>} : memref<16x1024xf32, #tpu.memory_space<vmem>>, vector<1x16xf32>,
      %get3A_44 = vector.shape_cast %get3A_43 : vector<1x16xf32> to vector<16xf32>
      %get3A_45 = arith.constant 7 : i32
      %get3A_46 = arith.index_cast %get3A_45 : i32 to index
      %get3A_47 = arith.index_cast %mul3A_10 : i32 to index
      %get3A_48 = tpu.vector_load %arg6[%get3A_46, %get3A_47] {strides = array<i32>} : memref<16x1024xf32, #tpu.memory_space<vmem>>, vector<1x16xf32>,
      %get3A_49 = vector.shape_cast %get3A_48 : vector<1x16xf32> to vector<16xf32>
      %get3A_50 = arith.constant 8 : i32
      %get3A_51 = arith.index_cast %get3A_50 : i32 to index
      %get3A_52 = arith.index_cast %mul3A_10 : i32 to index
      %get3A_53 = tpu.vector_load %arg6[%get3A_51, %get3A_52] {strides = array<i32>} : memref<16x1024xf32, #tpu.memory_space<vmem>>, vector<1x16xf32>,
      %get3A_54 = vector.shape_cast %get3A_53 : vector<1x16xf32> to vector<16xf32>
      %get3A_55 = arith.constant 9 : i32
      %get3A_56 = arith.index_cast %get3A_55 : i32 to index
      %get3A_57 = arith.index_cast %mul3A_10 : i32 to index
      %get3A_58 = tpu.vector_load %arg6[%get3A_56, %get3A_57] {strides = array<i32>} : memref<16x1024xf32, #tpu.memory_space<vmem>>, vector<1x16xf32>,
      %get3A_59 = vector.shape_cast %get3A_58 : vector<1x16xf32> to vector<16xf32>
      %get3A_60 = arith.constant 10 : i32
      %get3A_61 = arith.index_cast %get3A_60 : i32 to index
      %get3A_62 = arith.index_cast %mul3A_10 : i32 to index
      %get3A_63 = tpu.vector_load %arg6[%get3A_61, %get3A_62] {strides = array<i32>} : memref<16x1024xf32, #tpu.memory_space<vmem>>, vector<1x16xf32>,
      %get3A_64 = vector.shape_cast %get3A_63 : vector<1x16xf32> to vector<16xf32>
      %get3A_65 = arith.constant 11 : i32
      %get3A_66 = arith.index_cast %get3A_65 : i32 to index
      %get3A_67 = arith.index_cast %mul3A_10 : i32 to index
      %get3A_68 = tpu.vector_load %arg6[%get3A_66, %get3A_67] {strides = array<i32>} : memref<16x1024xf32, #tpu.memory_space<vmem>>, vector<1x16xf32>,
      %get3A_69 = vector.shape_cast %get3A_68 : vector<1x16xf32> to vector<16xf32>
      %get3A_70 = arith.constant 12 : i32
      %get3A_71 = arith.index_cast %get3A_70 : i32 to index
      %get3A_72 = arith.index_cast %mul3A_10 : i32 to index
      %get3A_73 = tpu.vector_load %arg6[%get3A_71, %get3A_72] {strides = array<i32>} : memref<16x1024xf32, #tpu.memory_space<vmem>>, vector<1x16xf32>,
      %get3A_74 = vector.shape_cast %get3A_73 : vector<1x16xf32> to vector<16xf32>
      %get3A_75 = arith.constant 13 : i32
      %get3A_76 = arith.index_cast %get3A_75 : i32 to index
      %get3A_77 = arith.index_cast %mul3A_10 : i32 to index
      %get3A_78 = tpu.vector_load %arg6[%get3A_76, %get3A_77] {strides = array<i32>} : memref<16x1024xf32, #tpu.memory_space<vmem>>, vector<1x16xf32>,
      %get3A_79 = vector.shape_cast %get3A_78 : vector<1x16xf32> to vector<16xf32>
      %get3A_80 = arith.constant 14 : i32
      %get3A_81 = arith.index_cast %get3A_80 : i32 to index
      %get3A_82 = arith.index_cast %mul3A_10 : i32 to index
      %get3A_83 = tpu.vector_load %arg6[%get3A_81, %get3A_82] {strides = array<i32>} : memref<16x1024xf32, #tpu.memory_space<vmem>>, vector<1x16xf32>,
      %get3A_84 = vector.shape_cast %get3A_83 : vector<1x16xf32> to vector<16xf32>
      %get3A_85 = arith.constant 15 : i32
      %get3A_86 = arith.index_cast %get3A_85 : i32 to index
      %get3A_87 = arith.index_cast %mul3A_10 : i32 to index
      %get3A_88 = tpu.vector_load %arg6[%get3A_86, %get3A_87] {strides = array<i32>} : memref<16x1024xf32, #tpu.memory_space<vmem>>, vector<1x16xf32>,
      %get3A_89 = vector.shape_cast %get3A_88 : vector<1x16xf32> to vector<16xf32>
      %broadcast_in_dim3A = arith.constant 0x7F800000 : f32
      %broadcast_in_dim3A_90 = vector.broadcast %broadcast_in_dim3A : f32 to vector<16xf32>
      %broadcast_in_dim3A_91 = arith.constant 0 : i32
      %broadcast_in_dim3A_92 = vector.broadcast %broadcast_in_dim3A_91 : i32 to vector<16xi32>
      %scan3A_93 = arith.constant 0 : i32
      %scan3A_94 = arith.constant 128 : i32
      %scan3A_95 = arith.addi %scan3A_93, %scan3A_94 : i32
      %scan3A_96 = arith.constant 1 : i32
      %scan3A_97:2 = scf.for %scan3A_106 = %scan3A_93 to %scan3A_95 step %scan3A_96 iter_args(%scan3A_107 = %broadcast_in_dim3A_90, %scan3A_108 = %broadcast_in_dim3A_92) -> (vector<16xf32>, vector<16xi32>)  : i32 {
        %get3A_109 = arith.index_cast %scan3A_106 : i32 to index
        %get3A_110 = arith.constant 0 : index
        %get3A_111 = tpu.vector_load %arg7[%get3A_109, %get3A_110] {strides = array<i32>} : memref<128x16xf32, #tpu.memory_space<vmem>>, vector<1x16xf32>,
        %get3A_112 = vector.shape_cast %get3A_111 : vector<1x16xf32> to vector<16xf32>
        %slice3A = vector.extract_strided_slice %get3A_112 {offsets = [0], sizes = [1], strides = [1]} : vector<16xf32> to vector<1xf32>
        %squeeze3A = vector.extract %slice3A[0] : f32 from vector<1xf32>
        %sub3A = vector.broadcast %squeeze3A : f32 to vector<16xf32>
        %sub3A_113 = arith.subf %get3A_14, %sub3A : vector<16xf32>
        %mul3A_114 = arith.mulf %sub3A_113, %sub3A_113 : vector<16xf32>
        %slice3A_115 = vector.extract_strided_slice %get3A_112 {offsets = [1], sizes = [1], strides = [1]} : vector<16xf32> to vector<1xf32>
        %squeeze3A_116 = vector.extract %slice3A_115[0] : f32 from vector<1xf32>
        %sub3A_117 = vector.broadcast %squeeze3A_116 : f32 to vector<16xf32>
        %sub3A_118 = arith.subf %get3A_19, %sub3A_117 : vector<16xf32>
        %mul3A_119 = arith.mulf %sub3A_118, %sub3A_118 : vector<16xf32>
        %add3A_120 = arith.addf %mul3A_114, %mul3A_119 : vector<16xf32>
        %slice3A_121 = vector.extract_strided_slice %get3A_112 {offsets = [2], sizes = [1], strides = [1]} : vector<16xf32> to vector<1xf32>
        %squeeze3A_122 = vector.extract %slice3A_121[0] : f32 from vector<1xf32>
        %sub3A_123 = vector.broadcast %squeeze3A_122 : f32 to vector<16xf32>
        %sub3A_124 = arith.subf %get3A_24, %sub3A_123 : vector<16xf32>
        %mul3A_125 = arith.mulf %sub3A_124, %sub3A_124 : vector<16xf32>
        %add3A_126 = arith.addf %add3A_120, %mul3A_125 : vector<16xf32>
        %slice3A_127 = vector.extract_strided_slice %get3A_112 {offsets = [3], sizes = [1], strides = [1]} : vector<16xf32> to vector<1xf32>
        %squeeze3A_128 = vector.extract %slice3A_127[0] : f32 from vector<1xf32>
        %sub3A_129 = vector.broadcast %squeeze3A_128 : f32 to vector<16xf32>
        %sub3A_130 = arith.subf %get3A_29, %sub3A_129 : vector<16xf32>
        %mul3A_131 = arith.mulf %sub3A_130, %sub3A_130 : vector<16xf32>
        %add3A_132 = arith.addf %add3A_126, %mul3A_131 : vector<16xf32>
        %slice3A_133 = vector.extract_strided_slice %get3A_112 {offsets = [4], sizes = [1], strides = [1]} : vector<16xf32> to vector<1xf32>
        %squeeze3A_134 = vector.extract %slice3A_133[0] : f32 from vector<1xf32>
        %sub3A_135 = vector.broadcast %squeeze3A_134 : f32 to vector<16xf32>
        %sub3A_136 = arith.subf %get3A_34, %sub3A_135 : vector<16xf32>
        %mul3A_137 = arith.mulf %sub3A_136, %sub3A_136 : vector<16xf32>
        %add3A_138 = arith.addf %add3A_132, %mul3A_137 : vector<16xf32>
        %slice3A_139 = vector.extract_strided_slice %get3A_112 {offsets = [5], sizes = [1], strides = [1]} : vector<16xf32> to vector<1xf32>
        %squeeze3A_140 = vector.extract %slice3A_139[0] : f32 from vector<1xf32>
        %sub3A_141 = vector.broadcast %squeeze3A_140 : f32 to vector<16xf32>
        %sub3A_142 = arith.subf %get3A_39, %sub3A_141 : vector<16xf32>
        %mul3A_143 = arith.mulf %sub3A_142, %sub3A_142 : vector<16xf32>
        %add3A_144 = arith.addf %add3A_138, %mul3A_143 : vector<16xf32>
        %slice3A_145 = vector.extract_strided_slice %get3A_112 {offsets = [6], sizes = [1], strides = [1]} : vector<16xf32> to vector<1xf32>
        %squeeze3A_146 = vector.extract %slice3A_145[0] : f32 from vector<1xf32>
        %sub3A_147 = vector.broadcast %squeeze3A_146 : f32 to vector<16xf32>
        %sub3A_148 = arith.subf %get3A_44, %sub3A_147 : vector<16xf32>
        %mul3A_149 = arith.mulf %sub3A_148, %sub3A_148 : vector<16xf32>
        %add3A_150 = arith.addf %add3A_144, %mul3A_149 : vector<16xf32>
        %slice3A_151 = vector.extract_strided_slice %get3A_112 {offsets = [7], sizes = [1], strides = [1]} : vector<16xf32> to vector<1xf32>
        %squeeze3A_152 = vector.extract %slice3A_151[0] : f32 from vector<1xf32>
        %sub3A_153 = vector.broadcast %squeeze3A_152 : f32 to vector<16xf32>
        %sub3A_154 = arith.subf %get3A_49, %sub3A_153 : vector<16xf32>
        %mul3A_155 = arith.mulf %sub3A_154, %sub3A_154 : vector<16xf32>
        %add3A_156 = arith.addf %add3A_150, %mul3A_155 : vector<16xf32>
        %slice3A_157 = vector.extract_strided_slice %get3A_112 {offsets = [8], sizes = [1], strides = [1]} : vector<16xf32> to vector<1xf32>
        %squeeze3A_158 = vector.extract %slice3A_157[0] : f32 from vector<1xf32>
        %sub3A_159 = vector.broadcast %squeeze3A_158 : f32 to vector<16xf32>
        %sub3A_160 = arith.subf %get3A_54, %sub3A_159 : vector<16xf32>
        %mul3A_161 = arith.mulf %sub3A_160, %sub3A_160 : vector<16xf32>
        %add3A_162 = arith.addf %add3A_156, %mul3A_161 : vector<16xf32>
        %slice3A_163 = vector.extract_strided_slice %get3A_112 {offsets = [9], sizes = [1], strides = [1]} : vector<16xf32> to vector<1xf32>
        %squeeze3A_164 = vector.extract %slice3A_163[0] : f32 from vector<1xf32>
        %sub3A_165 = vector.broadcast %squeeze3A_164 : f32 to vector<16xf32>
        %sub3A_166 = arith.subf %get3A_59, %sub3A_165 : vector<16xf32>
        %mul3A_167 = arith.mulf %sub3A_166, %sub3A_166 : vector<16xf32>
        %add3A_168 = arith.addf %add3A_162, %mul3A_167 : vector<16xf32>
        %slice3A_169 = vector.extract_strided_slice %get3A_112 {offsets = [10], sizes = [1], strides = [1]} : vector<16xf32> to vector<1xf32>
        %squeeze3A_170 = vector.extract %slice3A_169[0] : f32 from vector<1xf32>
        %sub3A_171 = vector.broadcast %squeeze3A_170 : f32 to vector<16xf32>
        %sub3A_172 = arith.subf %get3A_64, %sub3A_171 : vector<16xf32>
        %mul3A_173 = arith.mulf %sub3A_172, %sub3A_172 : vector<16xf32>
        %add3A_174 = arith.addf %add3A_168, %mul3A_173 : vector<16xf32>
        %slice3A_175 = vector.extract_strided_slice %get3A_112 {offsets = [11], sizes = [1], strides = [1]} : vector<16xf32> to vector<1xf32>
        %squeeze3A_176 = vector.extract %slice3A_175[0] : f32 from vector<1xf32>
        %sub3A_177 = vector.broadcast %squeeze3A_176 : f32 to vector<16xf32>
        %sub3A_178 = arith.subf %get3A_69, %sub3A_177 : vector<16xf32>
        %mul3A_179 = arith.mulf %sub3A_178, %sub3A_178 : vector<16xf32>
        %add3A_180 = arith.addf %add3A_174, %mul3A_179 : vector<16xf32>
        %slice3A_181 = vector.extract_strided_slice %get3A_112 {offsets = [12], sizes = [1], strides = [1]} : vector<16xf32> to vector<1xf32>
        %squeeze3A_182 = vector.extract %slice3A_181[0] : f32 from vector<1xf32>
        %sub3A_183 = vector.broadcast %squeeze3A_182 : f32 to vector<16xf32>
        %sub3A_184 = arith.subf %get3A_74, %sub3A_183 : vector<16xf32>
        %mul3A_185 = arith.mulf %sub3A_184, %sub3A_184 : vector<16xf32>
        %add3A_186 = arith.addf %add3A_180, %mul3A_185 : vector<16xf32>
        %slice3A_187 = vector.extract_strided_slice %get3A_112 {offsets = [13], sizes = [1], strides = [1]} : vector<16xf32> to vector<1xf32>
        %squeeze3A_188 = vector.extract %slice3A_187[0] : f32 from vector<1xf32>
        %sub3A_189 = vector.broadcast %squeeze3A_188 : f32 to vector<16xf32>
        %sub3A_190 = arith.subf %get3A_79, %sub3A_189 : vector<16xf32>
        %mul3A_191 = arith.mulf %sub3A_190, %sub3A_190 : vector<16xf32>
        %add3A_192 = arith.addf %add3A_186, %mul3A_191 : vector<16xf32>
        %slice3A_193 = vector.extract_strided_slice %get3A_112 {offsets = [14], sizes = [1], strides = [1]} : vector<16xf32> to vector<1xf32>
        %squeeze3A_194 = vector.extract %slice3A_193[0] : f32 from vector<1xf32>
        %sub3A_195 = vector.broadcast %squeeze3A_194 : f32 to vector<16xf32>
        %sub3A_196 = arith.subf %get3A_84, %sub3A_195 : vector<16xf32>
        %mul3A_197 = arith.mulf %sub3A_196, %sub3A_196 : vector<16xf32>
        %add3A_198 = arith.addf %add3A_192, %mul3A_197 : vector<16xf32>
        %slice3A_199 = vector.extract_strided_slice %get3A_112 {offsets = [15], sizes = [1], strides = [1]} : vector<16xf32> to vector<1xf32>
        %squeeze3A_200 = vector.extract %slice3A_199[0] : f32 from vector<1xf32>
        %sub3A_201 = vector.broadcast %squeeze3A_200 : f32 to vector<16xf32>
        %sub3A_202 = arith.subf %get3A_89, %sub3A_201 : vector<16xf32>
        %mul3A_203 = arith.mulf %sub3A_202, %sub3A_202 : vector<16xf32>
        %add3A_204 = arith.addf %add3A_198, %mul3A_203 : vector<16xf32>
        %lt3A = arith.cmpf olt, %add3A_204, %scan3A_107 : vector<16xf32>
        %select_n3A = arith.select %lt3A, %add3A_204, %scan3A_107 : vector<16xi1>, vector<16xf32>
        %mul3A_205 = arith.constant 128 : i32
        %mul3A_206 = arith.muli %add3A, %mul3A_205 : i32
        %add3A_207 = arith.addi %mul3A_206, %scan3A_106 : i32
        %broadcast_in_dim3A_208 = vector.broadcast %add3A_207 : i32 to vector<16xi32>
        %select_n3A_209 = arith.select %lt3A, %broadcast_in_dim3A_208, %scan3A_108 : vector<16xi1>, vector<16xi32>
        scf.yield %select_n3A, %select_n3A_209 : vector<16xf32>, vector<16xi32>
      }
      %scan3A_98 = arith.constant 128 : i32
      %swap3A = arith.index_cast %mul3A_10 : i32 to index
      %swap3A_99 = tpu.vector_load %arg8[%swap3A] {strides = array<i32>} : memref<1024xf32, #tpu.memory_space<vmem>>, vector<16xf32>,
      %swap3A_100 = vector.shape_cast %swap3A_99 : vector<16xf32> to vector<16xf32>
      %swap3A_101 = vector.shape_cast %scan3A_97#0 : vector<16xf32> to vector<16xf32>
      tpu.vector_store %arg8[%swap3A], %swap3A_101 {strides = array<i32>} : memref<1024xf32, #tpu.memory_space<vmem>>, vector<16xf32>,
      %swap3A_102 = arith.index_cast %mul3A_10 : i32 to index
      %swap3A_103 = tpu.vector_load %arg9[%swap3A_102] {strides = array<i32>} : memref<1024xi32, #tpu.memory_space<vmem>>, vector<16xi32>,
      %swap3A_104 = vector.shape_cast %swap3A_103 : vector<16xi32> to vector<16xi32>
      %swap3A_105 = vector.shape_cast %scan3A_97#1 : vector<16xi32> to vector<16xi32>
      tpu.vector_store %arg9[%swap3A_102], %swap3A_105 {strides = array<i32>} : memref<1024xi32, #tpu.memory_space<vmem>>, vector<16xi32>,
    }
    %scan3A_7 = arith.constant 64 : i32
    "tpu.region"() ({
      %run_scoped3A = tpu.sem_alloc : memref<!tpu.dma_semaphore, #tpu.memory_space<semaphore_mem>>
      %dma_start3A = arith.constant 0 : i32
      %dma_start3A_8 = tpu.memref_slice %arg4[%add3A, %dma_start3A] : memref<32x1024xf32, #tpu.memory_space<hbm>> -> memref<1x1024xf32, #tpu.memory_space<hbm>>
      %dma_start3A_9 = tpu.memref_squeeze %dma_start3A_8 : memref<1x1024xf32, #tpu.memory_space<hbm>> -> memref<1024xf32, #tpu.memory_space<hbm>>
      %dma_start3A_10 = arith.constant 0 : i32
      %dma_start3A_11 = tpu.memref_slice %arg4[%add3A, %dma_start3A_10] : memref<32x1024xf32, #tpu.memory_space<hbm>> -> memref<1x1024xf32, #tpu.memory_space<hbm>>
      %dma_start3A_12 = tpu.memref_squeeze %dma_start3A_11 : memref<1x1024xf32, #tpu.memory_space<hbm>> -> memref<1024xf32, #tpu.memory_space<hbm>>
      tpu.enqueue_dma source(%arg8 : memref<1024xf32, #tpu.memory_space<vmem>>) target(%dma_start3A_12 : memref<1024xf32, #tpu.memory_space<hbm>>) target_semaphore(%run_scoped3A : memref<!tpu.dma_semaphore, #tpu.memory_space<semaphore_mem>>)
      %dma_wait3A = arith.constant 0 : i32
      %dma_wait3A_13 = tpu.memref_slice %arg4[%add3A, %dma_wait3A] : memref<32x1024xf32, #tpu.memory_space<hbm>> -> memref<1x1024xf32, #tpu.memory_space<hbm>>
      %dma_wait3A_14 = tpu.memref_squeeze %dma_wait3A_13 : memref<1x1024xf32, #tpu.memory_space<hbm>> -> memref<1024xf32, #tpu.memory_space<hbm>>
      %dma_wait3A_15 = arith.constant 0 : i32
      %dma_wait3A_16 = tpu.memref_slice %arg4[%add3A, %dma_wait3A_15] : memref<32x1024xf32, #tpu.memory_space<hbm>> -> memref<1x1024xf32, #tpu.memory_space<hbm>>
      %dma_wait3A_17 = tpu.memref_squeeze %dma_wait3A_16 : memref<1x1024xf32, #tpu.memory_space<hbm>> -> memref<1024xf32, #tpu.memory_space<hbm>>
      tpu.wait_dma2 semaphore(%run_scoped3A : memref<!tpu.dma_semaphore, #tpu.memory_space<semaphore_mem>>) src(%arg8 : memref<1024xf32, #tpu.memory_space<vmem>>) dst(%dma_wait3A_17 : memref<1024xf32, #tpu.memory_space<hbm>>)
      tpu.yield
    }) : () -> ()
    "tpu.region"() ({
      %run_scoped3A = tpu.sem_alloc : memref<!tpu.dma_semaphore, #tpu.memory_space<semaphore_mem>>
      %dma_start3A = arith.constant 0 : i32
      %dma_start3A_8 = tpu.memref_slice %arg5[%add3A, %dma_start3A] : memref<32x1024xi32, #tpu.memory_space<hbm>> -> memref<1x1024xi32, #tpu.memory_space<hbm>>
      %dma_start3A_9 = tpu.memref_squeeze %dma_start3A_8 : memref<1x1024xi32, #tpu.memory_space<hbm>> -> memref<1024xi32, #tpu.memory_space<hbm>>
      %dma_start3A_10 = arith.constant 0 : i32
      %dma_start3A_11 = tpu.memref_slice %arg5[%add3A, %dma_start3A_10] : memref<32x1024xi32, #tpu.memory_space<hbm>> -> memref<1x1024xi32, #tpu.memory_space<hbm>>
      %dma_start3A_12 = tpu.memref_squeeze %dma_start3A_11 : memref<1x1024xi32, #tpu.memory_space<hbm>> -> memref<1024xi32, #tpu.memory_space<hbm>>
      tpu.enqueue_dma source(%arg9 : memref<1024xi32, #tpu.memory_space<vmem>>) target(%dma_start3A_12 : memref<1024xi32, #tpu.memory_space<hbm>>) target_semaphore(%run_scoped3A : memref<!tpu.dma_semaphore, #tpu.memory_space<semaphore_mem>>)
      %dma_wait3A = arith.constant 0 : i32
      %dma_wait3A_13 = tpu.memref_slice %arg5[%add3A, %dma_wait3A] : memref<32x1024xi32, #tpu.memory_space<hbm>> -> memref<1x1024xi32, #tpu.memory_space<hbm>>
      %dma_wait3A_14 = tpu.memref_squeeze %dma_wait3A_13 : memref<1x1024xi32, #tpu.memory_space<hbm>> -> memref<1024xi32, #tpu.memory_space<hbm>>
      %dma_wait3A_15 = arith.constant 0 : i32
      %dma_wait3A_16 = tpu.memref_slice %arg5[%add3A, %dma_wait3A_15] : memref<32x1024xi32, #tpu.memory_space<hbm>> -> memref<1x1024xi32, #tpu.memory_space<hbm>>
      %dma_wait3A_17 = tpu.memref_squeeze %dma_wait3A_16 : memref<1x1024xi32, #tpu.memory_space<hbm>> -> memref<1024xi32, #tpu.memory_space<hbm>>
      tpu.wait_dma2 semaphore(%run_scoped3A : memref<!tpu.dma_semaphore, #tpu.memory_space<semaphore_mem>>) src(%arg9 : memref<1024xi32, #tpu.memory_space<vmem>>) dst(%dma_wait3A_17 : memref<1024xi32, #tpu.memory_space<hbm>>)
      tpu.yield
    }) : () -> ()
    return
  }
}

module attributes {stable_mosaic.version = 14 : i64} {
  func.func @_merge_kernel(%arg0: memref<32x1024xf32, #tpu.memory_space<vmem>>, %arg1: memref<32x1024xi32, #tpu.memory_space<vmem>>, %arg2: memref<1x1024xi32, #tpu.memory_space<vmem>>) attributes {dimension_semantics = [], scalar_prefetch = 0 : i64, scratch_operands = 0 : i64, tpu.core_type = #tpu.core_type<tc>} {
    %get3A = arith.constant 0 : index
    %get3A_0 = arith.constant 0 : index
    %get3A_1 = vector.load %arg0[%get3A, %get3A_0] : memref<32x1024xf32, #tpu.memory_space<vmem>>, vector<32x1024xf32>
    %reduce_min3A = arith.constant dense<0x7F800000> : vector<1024xf32>
    %reduce_min3A_2 = vector.multi_reduction <minimumf>, %get3A_1, %reduce_min3A [0] : vector<32x1024xf32> to vector<1024xf32>
    %broadcast_in_dim3A = vector.shape_cast %reduce_min3A_2 : vector<1024xf32> to vector<1x1024xf32>
    %get3A_3 = arith.constant 0 : index
    %get3A_4 = arith.constant 0 : index
    %get3A_5 = vector.load %arg0[%get3A_3, %get3A_4] : memref<32x1024xf32, #tpu.memory_space<vmem>>, vector<32x1024xf32>
    %eq3A = vector.broadcast %broadcast_in_dim3A : vector<1x1024xf32> to vector<32x1024xf32>
    %eq3A_6 = arith.cmpf oeq, %get3A_5, %eq3A : vector<32x1024xf32>
    %get3A_7 = arith.constant 0 : index
    %get3A_8 = arith.constant 0 : index
    %get3A_9 = vector.load %arg1[%get3A_7, %get3A_8] : memref<32x1024xi32, #tpu.memory_space<vmem>>, vector<32x1024xi32>
    %jit3A = arith.constant 4096 : i32
    %broadcast_in_dim3A_10 = vector.broadcast %jit3A : i32 to vector<32x1024xi32>
    %select_n3A = arith.select %eq3A_6, %get3A_9, %broadcast_in_dim3A_10 : vector<32x1024xi1>, vector<32x1024xi32>
    %reduce_min3A_11 = arith.constant dense<2147483647> : vector<1024xi32>
    %reduce_min3A_12 = vector.multi_reduction <minsi>, %select_n3A, %reduce_min3A_11 [0] : vector<32x1024xi32> to vector<1024xi32>
    %broadcast_in_dim3A_13 = vector.shape_cast %reduce_min3A_12 : vector<1024xi32> to vector<1x1024xi32>
    %swap3A = arith.constant 0 : index
    %swap3A_14 = arith.constant 0 : index
    %swap3A_15 = vector.load %arg2[%swap3A, %swap3A_14] : memref<1x1024xi32, #tpu.memory_space<vmem>>, vector<1x1024xi32>
    tpu.vector_store %arg2[%swap3A, %swap3A_14], %broadcast_in_dim3A_13 {strides = array<i32>} : memref<1x1024xi32, #tpu.memory_space<vmem>>, vector<1x1024xi32>,
    return
  }
}

</mosaic_0001>

<sc_bundles>
// kernel: kernel.4.cloned.1.call-start
scs
__scs_entry_jumppad:
0x0: {  	(pc) =	sbr.rel $0x88, $3  }
0x1: {  	(tag) =	ssettag $0x0;
	lr =	simm.s32 $0x1  }
0x2: {  	[smem:$0x3F9F] =	sst lr;
	_ =	strace $0xD0000000  }
0x3: {  	_ = 	snop  }
0x4: {  	_ = 	snop  }
0x5: {  	_ = 	snop  }
0x6: {  	_ = 	snop  }
0x7: {  	_ = 	snop  }
__scs_overlays_trampoline_lowered:
0x8: {  	[smem:$0x3FAE] =	sst s0  }
0x9: {  	[smem:$0x3FAF] =	sst s1  }
0xa: {  	[smem:$0x3FB0] =	sst s2  }
0xb: {  	[smem:$0x3FB1] =	sst s3  }
0xc: {  	[smem:$0x3FB2] =	sst s4  }
0xd: {  	[smem:$0x3FB3] =	sst s5  }
0xe: {  	[smem:$0x3FB4] =	sst s6  }
0xf: {  	[smem:$0x3FB5] =	sst s7  }
0x10: {  	[smem:$0x3FB6] =	sst s8  }
0x11: {  	[smem:$0x3FB7] =	sst s9;
	s0 =	simm.s32 @!p0 $0x0  }
0x12: {  	s1 =	sld [smem:$0x3F9D];
	s0 =	simm.s32 @p0 $0x1  }
0x13: {  	[smem:$0x3FB8] =	sst s0;
	s0 =	simm.s32 @!p1 $0x0  }
0x14: {  	s2 =	sld [smem:$0x3F9C];
	s0 =	simm.s32 @p1 $0x1  }
0x15: {  	[smem:$0x3FB9] =	sst s0;
	s0 =	simm.s32 @!p2 $0x0  }
0x16: {  	s3 =	sld [smem:$0x3FDB];
	s0 =	simm.s32 @p2 $0x1  }
0x17: {  	s4 =	simm.s32 $0x1BF5;
	[smem:$0x3FBB] =	sst s0  }
0x18: {  	s0 =	sld [smem:$0x3F9E];
	_ =	swait.ge [sflag:s4], $0x0  }
0x19: {  	s7 =	sld [smem:$0x3F9F]  }
0x1a: {  	s8 =	sadd.s32 $0xFFFFE003, lr  }
0x1b: {  	s9 =	sadd.s32 $0xFFFFFEF7, lr;
	s5 =	simm.s32 $0xFFFFFFFF;
	p2 =	slt.u32 s8, $0xFFFFF086  }
0x1c: {  	p1 =	slt.u32 s9, $0xF7A;
	s5 =	simm.s32 @!p2 $0x0  }
0x1d: {  	s5 =	simm.s32 @p1 $0x1;
	p0 =	seq.s32 s7, s2  }
0x1e: {  	s7 =	smul.u32 @!p0 $0xF7A, s2;
	p2 =	seq.s32 @!p0 s5, $0x0  }
0x1f: {  	s9 =	smul.u32 $0xF7A, s1;
	s8 =	simm.s32 @!p0 $0x1BF5;
	p2 =	por !p2, p0  }
0x20: {  	[sflag:s8] =	ssyncset.s32 @!p0 $0xFFFFF086;
	s6 =	sadd.s32 @!p0 s3, s7;
	s7 =	simm.s32 @!p0 $0x108  }
0x21: {  	s3 =	sadd.s32 s3, s9;
	s6 =	sadd.s32 @!p0 $0x88, s6;
	s7 =	simm.s32 @p2 $0x1082  }
0x22: {  	[simem:s7], [sflag:s8] =	dma.local @!p0 [hbm:s6], $0xF7A  }
0x23: {  	s9 =	sor.u32 $0xD0000000, s2;
	s6 =	simm.s32 $0x108;
	_ =	swait.ge @!p0 [sflag:s8], $0x0  }
0x24: {  	s3 =	sadd.s32 $0x88, s3;
	s6 =	simm.s32 @!p1 $0x1082;
	[sflag:s4] =	ssyncset.s32 $0xFFFFF086  }
0x25: {  	[simem:s6], [sflag:s4] =	dma.local [hbm:s3], $0xF7A  }
0x26: {  	[smem:$0x3F9F] =	sst s1;
	(tag) =	ssettag s2;
	_ =	strace s9  }
0x27: {  	s1 =	sld [smem:$0x3FAF]  }
0x28: {  	s2 =	sld [smem:$0x3FB0]  }
0x29: {  	s4 =	sld [smem:$0x3FB2]  }
0x2a: {  	p0 =	seq.s32 s5, $0x0;
	s5 =	sld [smem:$0x3FB3]  }
0x2b: {  	s6 =	sld [smem:$0x3FB4]  }
0x2c: {  	s7 =	sld [smem:$0x3FB5]  }
0x2d: {  	s3 =	simm.s32 $0x108;
	s8 =	sld [smem:$0x3FB6]  }
0x2e: {  	s3 =	simm.s32 @!p0 $0x1082;
	s9 =	sld [smem:$0x3FB7]  }
0x2f: {  	lr =	sadd.s32 s0, s3;
	s0 =	sld [smem:$0x3FAE]  }
0x30: {  	s3 =	sld [smem:$0x3FB1]  }
0x31: {  	[smem:$0x3FBA] =	sst s10  }
0x32: {  	s10 =	sld [smem:$0x3FB8];
	_ =	sdelay $0x3  }
0x33: {  	p0 =	seq.s32 s10, $0x1;
	s10 =	sld [smem:$0x3FBA];
	_ =	sdelay $0x3  }
0x34: {  	[smem:$0x3FBA] =	sst s10  }
0x35: {  	s10 =	sld [smem:$0x3FB9];
	_ =	sdelay $0x3  }
0x36: {  	p1 =	seq.s32 s10, $0x1;
	s10 =	sld [smem:$0x3FBA];
	_ =	sdelay $0x3  }
0x37: {  	[smem:$0x3FBA] =	sst s10  }
0x38: {  	s10 =	sld [smem:$0x3FBB]  }
0x39: {  	_ = 	snop;
	(pc) =	sbr.ind lr, $3  }
0x3a: {  	_ = 	snop  }
0x3b: {  	_ = 	snop  }
0x3c: {  	p2 =	seq.s32 s10, $0x1;
	s10 =	sld [smem:$0x3FBA]  }
0x3d: {  	_ =	shalt  }
0x3e: {  	_ =	shalt  }
0x3f: {  	_ =	shalt  }
0x40: {  	_ =	shalt  }
0x41: {  	_ =	shalt  }
0x42: {  	_ =	shalt  }
0x43: {  	_ =	shalt  }
0x44: {  	_ =	shalt  }
0x45: {  	_ =	shalt  }
0x46: {  	_ =	shalt  }
0x47: {  	_ =	shalt  }
0x48: {  	_ =	shalt  }
0x49: {  	_ =	shalt  }
0x4a: {  	_ =	shalt  }
0x4b: {  	_ =	shalt  }
0x4c: {  	_ =	shalt  }
0x4d: {  	_ =	shalt  }
0x4e: {  	_ =	shalt  }
0x4f: {  	_ =	shalt  }
0x50: {  	_ =	shalt  }
0x51: {  	_ =	shalt  }
0x52: {  	_ =	shalt  }
0x53: {  	_ =	shalt  }
0x54: {  	_ =	shalt  }
0x55: {  	_ =	shalt  }
0x56: {  	_ =	shalt  }
0x57: {  	_ =	shalt  }
0x58: {  	_ =	shalt  }
0x59: {  	_ =	shalt  }
0x5a: {  	_ =	shalt  }
0x5b: {  	_ =	shalt  }
0x5c: {  	_ =	shalt  }
0x5d: {  	_ =	shalt  }
0x5e: {  	_ =	shalt  }
0x5f: {  	_ =	shalt  }
0x60: {  	_ =	shalt  }
0x61: {  	_ =	shalt  }
0x62: {  	_ =	shalt  }
0x63: {  	_ =	shalt  }
0x64: {  	_ =	shalt  }
0x65: {  	_ =	shalt  }
0x66: {  	_ =	shalt  }
0x67: {  	_ =	shalt  }
0x68: {  	_ =	shalt  }
0x69: {  	_ =	shalt  }
0x6a: {  	_ =	shalt  }
0x6b: {  	_ =	shalt  }
0x6c: {  	_ =	shalt  }
0x6d: {  	_ =	shalt  }
0x6e: {  	_ =	shalt  }
0x6f: {  	_ =	shalt  }
0x70: {  	_ =	shalt  }
0x71: {  	_ =	shalt  }
0x72: {  	_ =	shalt  }
0x73: {  	_ =	shalt  }
0x74: {  	_ =	shalt  }
0x75: {  	_ =	shalt  }
0x76: {  	_ =	shalt  }
0x77: {  	_ =	shalt  }
0x78: {  	_ =	shalt  }
0x79: {  	_ =	shalt  }
0x7a: {  	_ =	shalt  }
0x7b: {  	_ =	shalt  }
0x7c: {  	_ =	shalt  }
0x7d: {  	_ =	shalt  }
0x7e: {  	_ =	shalt  }
0x7f: {  	_ =	shalt  }
0x80: {  	_ =	shalt  }
0x81: {  	_ =	shalt  }
0x82: {  	_ =	shalt  }
0x83: {  	_ =	shalt  }
0x84: {  	_ =	shalt  }
0x85: {  	_ =	shalt  }
0x86: {  	_ =	shalt  }
0x87: {  	_ =	shalt  }
.Lfunc_end0:
.L_simem_size_0:
called_computation_lowered:
.L_overlay_start_0:
0x88: {  	s2 =	sld [smem:$0x3FD9]  }
0x89: {  	s3 =	sld [smem:$0x3FFE];
	_ =	sdelay $0x1  }
0x8a: {  	s1 =	srdreg.scid  }
0x8b: {  	s0 =	sand.u32 $0x1, s1  }
0x8c: {  	s17 =	sshll.u32 s0, $0xA;
	s2 =	sadd.s32 s3, s2  }
0x8d: {  	s2 =	sadd.s32 s2, s17  }
0x8e: {  	[smem:$0x3FC6] =	sst s2  }
0x8f: {  	_ = 	snop  }
0x90: {  	s2 =	sld [smem:$0x3FC9];
	(tm) =	ssettm $0x1  }
0x91: {  	s18 =	sld [smem:$0x3FFB];
	_ =	sdelay $0x3  }
0x92: {  	_ =	strace s18  }
0x93: {  	s3 =	sld [smem:$0x3FFC];
	_ =	sdelay $0x3  }
0x94: {  	_ =	strace s3  }
0x95: {  	s3 =	sld [smem:$0x3FFD];
	_ =	sdelay $0x3  }
0x96: {  	_ =	strace s3  }
0x97: {  	_ =	strace $0x8FFFFFFF  }
0x98: {  	s19 =	sld [smem:$0x3FDB];
	_ =	sdelay $0x1  }
0x99: {  	s4 =	simm.s32 $_scs_section_size  }
0x9a: {  	s5 =	simm.s32 $_size__tile_overlayer_lowered;
	s6 =	simm.s32 $_tile_overlayer_lowered  }
0x9b: {  	s22 =	simm.s32 $0x1BFF;
	s21 =	sshll.u32 s6, $0x1;
	s3 =	sadd.s32 s4, s19  }
0x9c: {  	s7 =	simm.s32 $0x0;
	s20 =	sshll.u32 s5, $0x1;
	s5 =	sadd.s32 s21, s3  }
0x9d: {  	[timem:s7], [sflag:s22] =	dma.local [hbm:s5], s20  }
0x9e: {  	_ =	swait.ge [sflag:s22], s20  }
0x9f: {  	s4 =	ssub.s32 $0x0, s20;
	[sflag:s22] =	ssyncset.done $0x0  }
0xa0: {  	[sflag:s22] =	ssyncadd.s32 s4;
	_ =	sdelay $0x1  }
0xa1: {  	s23 =	simm.s32 $0x1B8B  }
0xa2: {  	_ =	swait.ge [sflag:s23], $0x1  }
0xa3: {  	[sflag:s23] =	ssyncset.done $0x0  }
0xa4: {  	s25 =	simm.s32 $0x1B8E;
	s24 =	sld [smem:$0x3FFE];
	[sflag:s23] =	ssyncadd.s32 $0xFFFFFFFF  }
0xa5: {  	s26 =	simm.s32 $execute0_lowered;
	[smem:$0x3FD2] =	sst s25  }
0xa6: {  	s5 =	sshll.u32 s26, $0x1;
	_ =	strace $0x80000046;
	[dreg:$0x1] =	wrdreg $0xFFFFFFFF  }
0xa7: {  	s28 =	simm.s32 $_size_execute0_lowered;
	s3 =	sadd.s32 s3, s5;
	[dreg:$0x0] =	wrdreg $0x0  }
0xa8: {  	s5 =	sshll.u32 s28, $0x1;
	[dreg:$0x2] =	wrdreg s3  }
0xa9: {  	[dreg:$0x3] =	wrdreg s5  }
0xaa: {  	[dreg:$0x4] =	wrdreg $0xC0  }
0xab: {  	_ =	task [dreg:s7], $0x5FFFF  }
0xac: {  	[dreg:$0x1] =	wrdreg $0xFFFFFFFF  }
0xad: {  	[dreg:$0x0] =	wrdreg $0x60  }
0xae: {  	[dreg:$0x2] =	wrdreg s2  }
0xaf: {  	[dreg:$0x3] =	wrdreg s24  }
0xb0: {  	[dreg:$0x4] =	wrdreg $0x9  }
0xb1: {  	_ =	task.clear_ibuf [dreg:s7], $0x5FFFF;
	_ =	strace $0x90000046  }
0xb2: {  	s29 =	simm.s32 $0x9;
	_ =	strace $0x80000048  }
0xb3: {  	_ =	swait.ge [sflag:s29], $0x1  }
0xb4: {  	[sflag:s29] =	ssyncadd.s32 $0xFFFFFFFF  }
0xb5: {  	_ =	strace $0x90000048  }
0xb6: {  	_ =	sfence  }
0xb7: {  	s30 =	sld [smem:$0x0];
	_ =	sdelay $0x2  }
0xb8: {  	s31 =	sshll.u32 s1, $0xD;
	s1 =	sshrl.u32 s1, $0x2  }
0xb9: {  	s3 =	sand.u32 $0x4000, s31;
	s1 =	sadd.s32 s1, s30  }
0xba: {  	s0 =	sor.u32 s3, s0;
	s1 =	sshll.u32 s1, $0x11  }
0xbb: {  	s0 =	sor.u32 s1, s0  }
0xbc: {  	s0 =	sadd.s32 $0x8F2B, s0  }
0xbd: {  	[sflag:s0] =	ssyncadd.remote.s32 $0x1  }
0xbe: {  	_ =	sfence.sel $0xFFFF  }
0xbf: {  	[dreg:$0x0] =	wrdreg $0xFFFFFFFF;
	(pc) =	sbr.abs _section_cstart, $3  }
0xc0: {  	[dreg:$0x1] =	wrdreg $0xFFFFFFFF  }
0xc1: {  	_ =	task.clear_ibuf [dreg:s7], $0x2FFFF;
	_ =	strace $0x9FFFFFFF  }
0xc2: {  	(tm) =	ssettm $0x7FFFFFFF  }
0xc3: {  	_ =	shalt  }
tec
execute0_lowered:
.L_overlay_start_1:
0x0: {  	(tag) =	ssettag $0x1  }
0x1: {  	s2 =	rddreg [dreg:$0x0]  }
0x2: {  	s1 =	srdreg.scid;
	s0 =	stileid.u32  }
0x3: {  	s4 =	rddreg [dreg:$0x1];
	s11 =	simm.s32 $0x80;
	s12 =	simm.s32 $0x400  }
0x4: {  	s13 =	simm.s32 $0x8000;
	s14 =	simm.s32 $0x8400;
	s15 =	simm.s32 $0x0  }
0x5: {  	s7 =	sand.u32 $0x1, s1;
	s3 =	sshll.u32 s0, $0x1;
	s1 =	rddreg [dreg:$0x2]  }
0x6: {  	s8 =	sshll.u32 s0, $0xB;
	s9 =	sshll.u32 s0, $0x8;
	s5 =	sor.u32 s7, s3  }
0x7: {  	s3 =	simm.s32 $0x0;
	s30 =	ssub.s32 $0x2, s7;
	s10 =	sshll.u32 s7, $0x7  }
0x8: {  	s6 =	sshll.u32 s5, $0x7;
	[smem:$0x7FF] =	sst s3;
	s5 =	sshll.u32 s5, $0xB  }
0x9: {  	s31 =	sshrl.u32 s30, $0x1;
	s6 =	sor.u32 s8, s6;
	_ =	strace $0x80000047  }
0xa: {  	s5 =	sadd.s32 s5, s4;
	s8 =	ssub.s32 s30, s31;
	s6 =	sand.u32 $0x6380, s6  }
0xb: {  	s7 =	smax.u32 s8, $0x1;
	s8 =	sor.u32 s10, s9;
	s6 =	sshrl.u32 s6, $0x3  }
0xc: {  	s9 =	simm.s32 $0x1;
	s10 =	simm.s32 $0x4000;
	s6 =	sadd.s32 s6, s4  }
0xd: {  	s4 =	sadd.s32 $0xE00, s5;
	s5 =	sadd.s32 $0x10E00, s6;
	s6 =	sadd.s32 $0x11E00, s6  }
.LBB2_1:
0xe: {  	[tilespmem:s3], [sflag:$0x1] =	stream.linear.gather [hbm4b:s2+s3], $0x4000, $0x38;
	[tilespmem:$0x8800] =	vst v63  }
0xf: {  	_ =	swait.ge [sflag:s9], $0x4000  }
0x10: {  	[sflag:s9] =	ssyncset.done $0x0  }
0x11: {  	[sflag:s9] =	ssyncadd.s32 $0xFFFFC000  }
0x12: {  	[tilespmem:s10], [sflag:$0x1] =	stream.linear.gather [hbm4b:s4+s3], $0x4000, $0x38;
	[tilespmem:$0x8800] =	vst v63  }
0x13: {  	_ =	swait.ge [sflag:s9], $0x4000  }
0x14: {  	[sflag:s9] =	ssyncset.done $0x0  }
0x15: {  	s16 =	simm.s32 $0x0;
	[sflag:s9] =	ssyncadd.s32 $0xFFFFC000  }
.LBB2_2:
0x16: {  	s17 =	sshll.u32 s16, $0x4;
	s18 =	sshll.u32 s16, $0x7;
	s19 =	simm.s32 $0x0  }
0x17: {  	s20 =	sand.u32 $0x70, s17;
	s18 =	sand.u32 $0x1C00, s18;
	v17 =	vld [tilespmem:s19+$0x4000]  }
0x18: {  	s18 =	sor.u32 s20, s18  }
0x19: {  	v2 =	vld [tilespmem:s18+$0x0]  }
0x1a: {  	v3 =	vld [tilespmem:s18+$0x80]  }
0x1b: {  	v4 =	vld [tilespmem:s18+$0x100]  }
0x1c: {  	v6 =	vld [tilespmem:s18+$0x200];
	v0 =	vbroadcast v17, $0x0  }
0x1d: {  	v7 =	vld [tilespmem:s18+$0x280];
	v8 =	vbroadcast v17, $0x2;
	v18 =	vbroadcast v17, $0xB  }
0x1e: {  	v9 =	vld [tilespmem:s18+$0x300];
	v12 =	vbroadcast v17, $0x4;
	v15 =	vbroadcast v17, $0x5  }
0x1f: {  	v5 =	vld [tilespmem:s18+$0x180];
	v20 =	vbroadcast v17, $0x8;
	v16 =	vbroadcast v17, $0x6  }
0x20: {  	v13 =	vld [tilespmem:s18+$0x2080];
	v21 =	vbroadcast v17, $0xF;
	v22 =	vbroadcast v17, $0x1  }
0x21: {  	v10 =	vld [tilespmem:s18+$0x380];
	v26 =	vbroadcast v17, $0x3;
	v28 =	vbroadcast v17, $0x9;
	v11 =	vsub.f32 v2, v0  }
0x22: {  	v14 =	vld [tilespmem:s18+$0x2100];
	v30 =	vbroadcast v17, $0xA;
	v8 =	vsub.f32 v4, v8;
	v12 =	vsub.f32 v6, v12  }
0x23: {  	v33 =	vbroadcast v17, $0xD;
	v24 =	vsub.f32 v7, v15;
	v15 =	vld [tilespmem:s18+$0x2180];
	v25 =	vsub.f32 v9, v16  }
0x24: {  	v22 =	vsub.f32 v3, v22;
	v16 =	vld [tilespmem:s18+$0x2200];
	v19 =	vmul.f32 v11, v11;
	v23 =	vmul.f32 v8, v8  }
0x25: {  	v28 =	vsub.f32 v13, v28;
	v11 =	vld [tilespmem:s18+$0x2000];
	v8 =	vbroadcast v17, $0x7;
	v29 =	vmul.f32 v12, v12  }
0x26: {  	v26 =	vsub.f32 v5, v26;
	v22 =	vmul.f32 v22, v22;
	v31 =	vmul.f32 v24, v24  }
0x27: {  	s31 =	simm.s32 $0x80;
	v24 =	vsub.f32 v14, v30;
	v30 =	vbroadcast v17, $0xC;
	v27 =	vsub.f32 v10, v8;
	v8 =	vld [tilespmem:s18+$0x2380]  }
0x28: {  	v25 =	vmul.f32 v25, v25;
	v26 =	vmul.f32 v26, v26;
	v22 =	vadd.f32 v22, v19;
	v19 =	vld [tilespmem:s31+$0x4000]  }
0x29: {  	v17 =	vbroadcast v17, $0xE;
	v59 =	vmul.f32 v28, v28;
	v32 =	vsub.f32 v15, v18  }
0x2a: {  	v30 =	vsub.f32 v16, v30;
	v27 =	vmul.f32 v27, v27;
	v20 =	vsub.f32 v11, v20  }
0x2b: {  	v12 =	vld [tilespmem:s18+$0x2300];
	v22 =	vadd.f32 v22, v23;
	v23 =	vmul.f32 v24, v24;
	v24 =	vmul.f32 v32, v32  }
0x2c: {  	v18 =	vld [tilespmem:s18+$0x2280];
	v34 =	vsub.f32 v8, v21;
	v35 =	vmul.f32 v20, v20;
	v21 =	vmul.f32 v30, v30  }
0x2d: {  	v1 =	vimm.s32 $0x0;
	v28 =	vbroadcast v19, $0x2;
	v60 =	vbroadcast v19, $0xB  }
0x2e: {  	v0 =	vimm.f32 $+Inf;
	v30 =	vbroadcast v19, $0x4;
	v36 =	vbroadcast v19, $0x6  }
0x2f: {  	v22 =	vadd.f32 v22, v26;
	v62 =	vbroadcast v19, $0x3;
	v38 =	vbroadcast v19, $0x9  }
0x30: {  	v20 =	vsub.f32 v12, v17;
	v42 =	vbroadcast v19, $0xA;
	v63 =	vbroadcast v19, $0xC  }
0x31: {  	v26 =	vadd.f32 v22, v29;
	v29 =	vbroadcast v19, $0x0;
	v22 =	vsub.f32 v18, v33  }
0x32: {  	v17 =	vmul.f32 v34, v34;
	v28 =	vsub.f32 v4, v28;
	v30 =	vsub.f32 v6, v30  }
0x33: {  	v20 =	vmul.f32 v20, v20;
	v40 =	vsub.f32 v9, v36;
	v26 =	vadd.f32 v26, v31  }
0x34: {  	v33 =	vsub.f32 v15, v60;
	v29 =	vsub.f32 v2, v29;
	v31 =	vbroadcast v19, $0x5  }
0x35: {  	v32 =	vmul.f32 v40, v40;
	v61 =	vadd.f32 v26, v25;
	v26 =	vmul.f32 v28, v28  }
0x36: {  	v37 =	vsub.f32 v7, v31;
	v28 =	vbroadcast v19, $0x1;
	v31 =	vbroadcast v19, $0x7  }
0x37: {  	v39 =	vmul.f32 v29, v29;
	v29 =	vbroadcast v19, $0x8;
	v34 =	vadd.f32 v61, v27  }
0x38: {  	v25 =	vbroadcast v19, $0xF;
	v31 =	vsub.f32 v10, v31;
	v41 =	vsub.f32 v3, v28  }
0x39: {  	v27 =	vmul.f32 v30, v30;
	v30 =	vsub.f32 v11, v29;
	v35 =	vadd.f32 v34, v35  }
0x3a: {  	v28 =	vsub.f32 v13, v38;
	v38 =	vsub.f32 v5, v62;
	v41 =	vmul.f32 v41, v41  }
0x3b: {  	v29 =	vmul.f32 v37, v37;
	v34 =	vsub.f32 v14, v42;
	v36 =	vadd.f32 v35, v59  }
0x3c: {  	s21 =	simm.s32 $0x400;
	s19 =	smov.u32 s8;
	s18 =	smov.u32 s8;
	v37 =	vbroadcast v19, $0xD;
	v39 =	vadd.f32 v41, v39;
	v35 =	vsub.f32 v16, v63  }
.LBB2_3:
0x3d: {  	s20 =	smov.u32 s21  }
0x3e: {  	s22 =	sshra.s32 s21, $0x2;
	v38 =	vmul.f32 v38, v38;
	v37 =	vsub.f32 v18, v37;
	v40 =	vbroadcast v19, $0xE;
	s18 =	sadd.s32 $0x1, s18;
	s20 =	sadd.s32 $0x200, s21  }
0x3f: {  	p0 =	sne.s32 s21, $0xFE00;
	v31 =	vmul.f32 v31, v31;
	v25 =	vsub.f32 v8, v25;
	v26 =	vadd.f32 v39, v26;
	v19 =	vld [tilespmem:s22+$0x4000]  }
0x40: {  	v36 =	vadd.f32 v36, v23;
	v23 =	vmul.f32 v34, v34;
	v39 =	vsub.f32 v12, v40  }
0x41: {  	v34 =	vmul.f32 v30, v30;
	v30 =	vmul.f32 v35, v35;
	v26 =	vadd.f32 v26, v38  }
0x42: {  	v35 =	vmul.f32 v25, v25;
	v25 =	vadd.f32 v36, v24;
	v24 =	vmul.f32 v33, v33  }
0x43: {  	v36 =	vmul.f32 v28, v28;
	v26 =	vadd.f32 v26, v27;
	v27 =	vmul.f32 v39, v39  }
0x44: {  	v33 =	vmul.f32 v22, v22;
	v22 =	vmovc v37;
	v25 =	vadd.f32 v25, v21;
	v21 =	vmovc v30;
	v28 =	vbroadcast v19, $0x0  }
0x45: {  	v30 =	vbroadcast v19, $0x2;
	v37 =	vbroadcast v19, $0xB;
	v26 =	vadd.f32 v26, v29  }
0x46: {  	v25 =	vadd.f32 v25, v33;
	v29 =	vbroadcast v19, $0x4;
	v28 =	vsub.f32 v2, v28  }
0x47: {  	v33 =	vbroadcast v19, $0x5;
	v30 =	vsub.f32 v4, v30;
	v32 =	vadd.f32 v26, v32  }
0x48: {  	v38 =	vadd.f32 v25, v20;
	v20 =	vmovc v27;
	v39 =	vmul.f32 v28, v28;
	v28 =	vbroadcast v19, $0x8  }
0x49: {  	v25 =	vbroadcast v19, $0xF;
	v27 =	vsub.f32 v6, v29;
	v29 =	vbroadcast v19, $0x6  }
0x4a: {  	v33 =	vsub.f32 v7, v33;
	v26 =	vmul.f32 v30, v30;
	v30 =	vadd.f32 v38, v17;
	v17 =	vmovc v35  }
0x4b: {  	v35 =	vbroadcast v19, $0x1;
	v40 =	vsub.f32 v9, v29;
	v29 =	vbroadcast v19, $0x7  }
0x4c: {  	v38 =	vbroadcast v19, $0x3;
	v32 =	vadd.f32 v32, v31;
	vm0 =	vlt.f32 v30, v0  }
0x4d: {  	v31 =	vsub.f32 v10, v29;
	v29 =	vbroadcast v19, $0x9;
	v0 =	vsel vm0, v30, v0  }
0x4e: {  	v27 =	vmul.f32 v27, v27;
	v30 =	vsub.f32 v11, v28;
	v1 =	vsel vm0, s19, v1;
	s19 =	smov.u32 s18  }
.Ltmp0:
0x4f: {  	v41 =	vbroadcast v19, $0xA;
	v35 =	vsub.f32 v3, v35;
	v28 =	vsub.f32 v13, v29;
	(pc) =	sbr.rel @p0 .LBB2_3-.Ltmp0, $4  }
0x50: {  	v38 =	vsub.f32 v5, v38;
	v32 =	vadd.f32 v32, v34;
	v29 =	vmul.f32 v33, v33  }
0x51: {  	v34 =	vsub.f32 v14, v41;
	v41 =	vbroadcast v19, $0xC;
	v35 =	vmul.f32 v35, v35  }
0x52: {  	v33 =	vsub.f32 v15, v37;
	v37 =	vbroadcast v19, $0xD;
	v36 =	vadd.f32 v32, v36  }
0x53: {  	s21 =	smov.u32 s20;
	v32 =	vmul.f32 v40, v40;
	v39 =	vadd.f32 v35, v39;
	v35 =	vsub.f32 v16, v41  }
0x54: {  	_ = 	snop  }
0x55: {  	v2 =	vmul.f32 v38, v38;
	v3 =	vadd.f32 v39, v26;
	_ =	sdelay $0x1  }
0x56: {  	v2 =	vadd.f32 v3, v2;
	_ =	sdelay $0x1  }
0x57: {  	v2 =	vadd.f32 v2, v27;
	_ =	sdelay $0x1  }
0x58: {  	v2 =	vadd.f32 v2, v29;
	_ =	sdelay $0x1  }
0x59: {  	v56 =	vmul.f32 v31, v31;
	v2 =	vadd.f32 v2, v32;
	_ =	sdelay $0x1  }
0x5a: {  	v4 =	vmul.f32 v30, v30;
	v2 =	vadd.f32 v2, v56;
	_ =	sdelay $0x1  }
0x5b: {  	v57 =	vmul.f32 v28, v28;
	v2 =	vadd.f32 v2, v4;
	_ =	sdelay $0x1  }
0x5c: {  	v58 =	vmul.f32 v34, v34;
	v5 =	vadd.f32 v36, v23;
	v2 =	vadd.f32 v2, v57;
	_ =	sdelay $0x1  }
0x5d: {  	v59 =	vmul.f32 v33, v33;
	v5 =	vadd.f32 v5, v24;
	v2 =	vadd.f32 v2, v58  }
0x5e: {  	v60 =	vsub.f32 v18, v37;
	v6 =	vbroadcast v19, $0xE;
	v9 =	vmul.f32 v22, v22  }
0x5f: {  	v7 =	vmul.f32 v35, v35;
	v5 =	vadd.f32 v5, v21;
	v2 =	vadd.f32 v2, v59  }
0x60: {  	v61 =	vsub.f32 v12, v6  }
0x61: {  	v5 =	vadd.f32 v5, v9;
	v4 =	vmul.f32 v60, v60;
	v2 =	vadd.f32 v2, v7  }
0x62: {  	v62 =	vsub.f32 v8, v25  }
0x63: {  	v3 =	vmul.f32 v61, v61;
	v5 =	vadd.f32 v5, v20;
	v2 =	vadd.f32 v2, v4;
	_ =	sdelay $0x1  }
0x64: {  	v63 =	vmul.f32 v62, v62;
	v5 =	vadd.f32 v5, v17;
	v2 =	vadd.f32 v2, v3  }
0x65: {  	s16 =	sadd.s32 $0x1, s16  }
0x66: {  	p0 =	sne.s32 s16, $0x40;
	vm0 =	vlt.f32 v5, v0;
	v2 =	vadd.f32 v2, v63  }
.Ltmp1:
0x67: {  	v0 =	vsel vm0, v5, v0;
	(pc) =	sbr.rel @p0 .LBB2_2-.Ltmp1, $4  }
0x68: {  	vm1 =	vlt.f32 v2, v0  }
0x69: {  	s18 =	sadd.s32 $0x1, s18;
	v1 =	vsel vm0, s19, v1;
	v0 =	vsel vm1, v2, v0  }
0x6a: {  	v1 =	vsel vm1, s18, v1;
	[tilespmem:s17+$0x8000] =	vst v0  }
0x6b: {  	[tilespmem:s17+$0x8400] =	vst v1  }
0x6c: {  	[hbm4b:s5+s11] =	stream.strided.scatter [tilespmem:s13], [sflag:$0x1], $0x400, s12, s11, $0x38;
	[tilespmem:$0x8800] =	vst v63  }
0x6d: {  	s15 =	sadd.s32 $0x1, s15;
	_ =	swait.ge [sflag:s9], $0x400  }
0x6e: {  	p0 =	sne.s32 s15, s7;
	[sflag:s9] =	ssyncset.done $0x0  }
.Ltmp2:
0x6f: {  	[sflag:s9] =	ssyncadd.s32 $0xFFFFFC00;
	(pc) =	sbr.rel @p0 .LBB2_1-.Ltmp2, $4  }
0x70: {  	[hbm4b:s6+s11] =	stream.strided.scatter [tilespmem:s14], [sflag:$0x1], $0x400, s12, s11, $0x38;
	[tilespmem:$0x8800] =	vst v63  }
0x71: {  	_ =	swait.ge [sflag:s9], $0x400  }
0x72: {  	[sflag:s9] =	ssyncset.done $0x0  }
0x73: {  	[sflag:s9] =	ssyncadd.s32 $0xFFFFFC00  }
0x74: {  	_ =	sfence.sel $0x180000  }
0x75: {  	[bflag:$0x0] =	sbarrier.arrive $0xFFFF  }
0x76: {  	p0 =	sne.s32 s0, $0x0;
	_ =	strace $0x90000047  }
0x77: {  	s0 =	sadd.s32 @!p0 $0x100000, s1;
	[bflag:$0x2] =	sbarrier.arrive $0xFFFF  }
0x78: {  	[sflag:s0] =	ssyncadd.tile.s32 @!p0 $0x1;
	_ =	shalt  }
.Lfunc_end2:
_tile_overlayer_lowered:
.L_overlay_start_2:
0x79: {  	(tag) =	ssettag $0x2  }
0x7a: {  	s0 =	rddreg [dreg:$0x0];
	s2 =	stileid.u32  }
0x7b: {  	s1 =	rddreg [dreg:$0x1];
	p0 =	sne.s32 s2, $0x0  }
0x7c: {  	s3 =	rddreg [dreg:$0x2];
	[bflag:$0x3] =	sbarrier.arrive $0xFFFF;
	s2 =	simm.s32 @!p0 $0x1C01  }
0x7d: {  	[timem:s3], [sflag:s2] =	dma.local @!p0 [hbm:s0], s1  }
0x7e: {  	s0 =	simm.s32 @!p0 $0x1  }
0x7f: {  	_ =	swait.ge @!p0 [sflag:s0], s1  }
0x80: {  	s1 =	ssub.s32 @!p0 $0x0, s1;
	[sflag:s0] =	ssyncset.done @!p0 $0x0  }
0x81: {  	[sflag:s0] =	ssyncadd.s32 @!p0 s1  }
0x82: {  	[bflag:$0x3] =	sbarrier.arrive $0xFFFF  }
0x83: {  	_ =	shalt  }

</sc_bundles>
